<compile_context>
chip_gen: v7x
topology: tpu7x:2x2x1
jax: 0.10.2.dev20260603
libtpu: 0.0.44.dev20260713+nightly
codegen_flags: <defaults>
</compile_context>

<pallas_src>
import functools

import jax
import jax.numpy as jnp
from jax import lax
from jax.experimental import pallas as pl
from jax.experimental.pallas import tpu as pltpu
from jax.experimental.pallas import tpu_sc as plsc

_WS = 16
_N = (_WS * _WS) ** 2
_TABLE = (2 * _WS - 1) ** 2
_NC = 1
_NS = 16
_L = 16
_NW = _NC * _NS
_B_PER_W = _N // _NW
_STEPS = _B_PER_W // _L


def _sc_gather(table_flat, idx_flat):
    mesh = plsc.VectorSubcoreMesh(
        core_axis_name="c", subcore_axis_name="s", num_cores=_NC
    )

    @functools.partial(
        pl.kernel,
        mesh=mesh,
        out_type=jax.ShapeDtypeStruct((_N,), jnp.float32),
        scratch_types=[
            pltpu.VMEM((_TABLE,), jnp.float32),
            pltpu.VMEM((_B_PER_W,), jnp.int32),
            pltpu.VMEM((_B_PER_W,), jnp.float32),
            pltpu.SemaphoreType.DMA,
            [pltpu.SemaphoreType.DMA] * 4,
            [pltpu.SemaphoreType.DMA] * 4,
        ],
        compiler_params=pltpu.CompilerParams(
            needs_layout_passes=False,
            disable_bounds_checks=True,
            disable_semaphore_checks=True,
        ),
    )
    def k(table_hbm, idx_hbm, out_hbm, table_v, idx_v, vals_v, sem_t, sems_i, sems_o):
        wid = lax.axis_index("s") * _NC + lax.axis_index("c")
        base = wid * _B_PER_W
        qtr = _B_PER_W // 4
        cp_t = pltpu.async_copy(table_hbm, table_v, sem_t)
        cp_in = [
            pltpu.async_copy(
                idx_hbm.at[pl.ds(base + q * qtr, qtr)],
                idx_v.at[pl.ds(q * qtr, qtr)],
                sems_i[q],
            )
            for q in range(4)
        ]
        cp_t.wait()
        cp_out = []
        for q in range(4):
            cp_in[q].wait()

            @plsc.parallel_loop(q * (_STEPS // 4), (q + 1) * (_STEPS // 4),
                                step=1, unroll=8)
            def body(i):
                off = i * _L
                idx = idx_v[pl.ds(off, _L)]
                vals_v[pl.ds(off, _L)] = plsc.load_gather(table_v, [idx])

            cp_out.append(
                pltpu.async_copy(
                    vals_v.at[pl.ds(q * qtr, qtr)],
                    out_hbm.at[pl.ds(base + q * qtr, qtr)],
                    sems_o[q],
                )
            )
        for cp in cp_out:
            cp.wait()

    return k(table_flat, idx_flat)


def kernel(relative_position_bias_table, relative_position_index, num_heads):
    ws = _WS
    table_flat = relative_position_bias_table.reshape(-1)
    idx_flat = relative_position_index.reshape(-1)
    out = _sc_gather(table_flat, idx_flat)
    return out.reshape(1, ws * ws, ws * ws)

# --- scband reference (transcript-rebuilt; emitter-appended) ---
"""Pipeline reference for scband-relative-embeddings-17351667875857 (READ-ONLY COPY).

The authoritative reference and input builder live on the scoring server;
editing this copy changes nothing except your own understanding.
"""

import jax, jax.numpy as jnp
import numpy as np

WINDOW_SIZE = 16

def _build_relative_position_index(ws):
    coords_h = np.arange(ws)
    coords_w = np.arange(ws)
    coords = np.stack(np.meshgrid(coords_h, coords_w, indexing='ij'))
    coords_flatten = coords.reshape(2, -1)
    relative_coords = coords_flatten[:, :, None] - coords_flatten[:, None, :]
    relative_coords = relative_coords.transpose(1, 2, 0).copy()
    relative_coords[:, :, 0] += ws - 1
    relative_coords[:, :, 1] += ws - 1
    relative_coords[:, :, 0] *= 2 * ws - 1
    relative_position_index = relative_coords.sum(-1)
    return relative_position_index


def setup_inputs(seed: int = 0) -> dict:
    key = jax.random.key(seed)
    ws = WINDOW_SIZE
    relative_position_bias_table = jax.random.normal(key, ((2 * ws - 1) ** 2, 1), dtype=jnp.float32)
    relative_position_index = jnp.asarray(_build_relative_position_index(ws), dtype=jnp.int32)
    return {
        "relative_position_bias_table": relative_position_bias_table,
        "relative_position_index": relative_position_index,
        "num_heads": 16,
    }


def reference(relative_position_bias_table, relative_position_index, num_heads):
    ws = WINDOW_SIZE
    # gather: table[index.view(-1)] -> [ws^2 * ws^2, 1]
    flat_idx = relative_position_index.reshape(-1)
    relative_position_bias = jnp.take(relative_position_bias_table, flat_idx, axis=0)
    relative_position_bias = relative_position_bias.reshape(ws * ws, ws * ws, -1)
    return jnp.transpose(relative_position_bias, (2, 0, 1))

if __name__ == "__main__":
    import jax
    _d = setup_inputs()
    print(jax.jit(kernel)(*tuple(_d.values())))

</pallas_src>

<mosaic_0001>
#map = affine_map<(d0, d1) -> (0)>
module attributes {stable_mosaic.version = 14 : i64} {
  func.func @k(%arg0: i32, %arg1: i32, %arg2: memref<961xf32, #tpu.memory_space<hbm>>, %arg3: memref<65536xi32, #tpu.memory_space<hbm>>, %arg4: memref<65536xf32, #tpu.memory_space<hbm>>, %arg5: memref<961xf32, #tpu.memory_space<vmem>>, %arg6: memref<4096xi32, #tpu.memory_space<vmem>>, %arg7: memref<4096xf32, #tpu.memory_space<vmem>>, %arg8: memref<!tpu.dma_semaphore, #tpu.memory_space<semaphore_mem>>, %arg9: memref<!tpu.dma_semaphore, #tpu.memory_space<semaphore_mem>>, %arg10: memref<!tpu.dma_semaphore, #tpu.memory_space<semaphore_mem>>, %arg11: memref<!tpu.dma_semaphore, #tpu.memory_space<semaphore_mem>>, %arg12: memref<!tpu.dma_semaphore, #tpu.memory_space<semaphore_mem>>, %arg13: memref<!tpu.dma_semaphore, #tpu.memory_space<semaphore_mem>>, %arg14: memref<!tpu.dma_semaphore, #tpu.memory_space<semaphore_mem>>, %arg15: memref<!tpu.dma_semaphore, #tpu.memory_space<semaphore_mem>>, %arg16: memref<!tpu.dma_semaphore, #tpu.memory_space<semaphore_mem>>) attributes {dimension_semantics = [#tpu.dimension_semantics<core_parallel>, #tpu.dimension_semantics<subcore_parallel>], iteration_bounds = array<i64: 1, 16>, scalar_prefetch = 0 : i64, scratch_operands = 12 : i64, tpu.core_type = #tpu.core_type<sc_vector_subcore>, window_params = [{transform_indices = #map}, {transform_indices = #map}, {transform_indices = #map}]} {
    %mul3A = arith.constant 1 : i32
    %mul3A_0 = arith.muli %arg1, %mul3A : i32
    %add3A = arith.addi %mul3A_0, %arg0 : i32
    %mul3A_1 = arith.constant 4096 : i32
    %mul3A_2 = arith.muli %add3A, %mul3A_1 : i32
    tpu.enqueue_dma source(%arg2 : memref<961xf32, #tpu.memory_space<hbm>>) target(%arg5 : memref<961xf32, #tpu.memory_space<vmem>>) target_semaphore(%arg8 : memref<!tpu.dma_semaphore, #tpu.memory_space<semaphore_mem>>)
    %add3A_3 = arith.constant 0 : i32
    %add3A_4 = arith.addi %mul3A_2, %add3A_3 : i32
    %dma_start3A = arith.constant 0 : i32
    %dma_start3A_5 = tpu.memref_slice %arg6[%dma_start3A] : memref<4096xi32, #tpu.memory_space<vmem>> -> memref<1024xi32, #tpu.memory_space<vmem>>
    %dma_start3A_6 = tpu.memref_slice %arg3[%add3A_4] : memref<65536xi32, #tpu.memory_space<hbm>> -> memref<1024xi32, #tpu.memory_space<hbm>>
    %dma_start3A_7 = arith.constant 0 : i32
    %dma_start3A_8 = tpu.memref_slice %arg6[%dma_start3A_7] : memref<4096xi32, #tpu.memory_space<vmem>> -> memref<1024xi32, #tpu.memory_space<vmem>>
    %dma_start3A_9 = tpu.memref_slice %arg3[%add3A_4] : memref<65536xi32, #tpu.memory_space<hbm>> -> memref<1024xi32, #tpu.memory_space<hbm>>
    tpu.enqueue_dma source(%dma_start3A_9 : memref<1024xi32, #tpu.memory_space<hbm>>) target(%dma_start3A_8 : memref<1024xi32, #tpu.memory_space<vmem>>) target_semaphore(%arg9 : memref<!tpu.dma_semaphore, #tpu.memory_space<semaphore_mem>>)
    %add3A_10 = arith.constant 1024 : i32
    %add3A_11 = arith.addi %mul3A_2, %add3A_10 : i32
    %dma_start3A_12 = arith.constant 1024 : i32
    %dma_start3A_13 = tpu.memref_slice %arg6[%dma_start3A_12] : memref<4096xi32, #tpu.memory_space<vmem>> -> memref<1024xi32, #tpu.memory_space<vmem>>
    %dma_start3A_14 = tpu.memref_slice %arg3[%add3A_11] : memref<65536xi32, #tpu.memory_space<hbm>> -> memref<1024xi32, #tpu.memory_space<hbm>>
    %dma_start3A_15 = arith.constant 1024 : i32
    %dma_start3A_16 = tpu.memref_slice %arg6[%dma_start3A_15] : memref<4096xi32, #tpu.memory_space<vmem>> -> memref<1024xi32, #tpu.memory_space<vmem>>
    %dma_start3A_17 = tpu.memref_slice %arg3[%add3A_11] : memref<65536xi32, #tpu.memory_space<hbm>> -> memref<1024xi32, #tpu.memory_space<hbm>>
    tpu.enqueue_dma source(%dma_start3A_17 : memref<1024xi32, #tpu.memory_space<hbm>>) target(%dma_start3A_16 : memref<1024xi32, #tpu.memory_space<vmem>>) target_semaphore(%arg10 : memref<!tpu.dma_semaphore, #tpu.memory_space<semaphore_mem>>)
    %add3A_18 = arith.constant 2048 : i32
    %add3A_19 = arith.addi %mul3A_2, %add3A_18 : i32
    %dma_start3A_20 = arith.constant 2048 : i32
    %dma_start3A_21 = tpu.memref_slice %arg6[%dma_start3A_20] : memref<4096xi32, #tpu.memory_space<vmem>> -> memref<1024xi32, #tpu.memory_space<vmem>>
    %dma_start3A_22 = tpu.memref_slice %arg3[%add3A_19] : memref<65536xi32, #tpu.memory_space<hbm>> -> memref<1024xi32, #tpu.memory_space<hbm>>
    %dma_start3A_23 = arith.constant 2048 : i32
    %dma_start3A_24 = tpu.memref_slice %arg6[%dma_start3A_23] : memref<4096xi32, #tpu.memory_space<vmem>> -> memref<1024xi32, #tpu.memory_space<vmem>>
    %dma_start3A_25 = tpu.memref_slice %arg3[%add3A_19] : memref<65536xi32, #tpu.memory_space<hbm>> -> memref<1024xi32, #tpu.memory_space<hbm>>
    tpu.enqueue_dma source(%dma_start3A_25 : memref<1024xi32, #tpu.memory_space<hbm>>) target(%dma_start3A_24 : memref<1024xi32, #tpu.memory_space<vmem>>) target_semaphore(%arg11 : memref<!tpu.dma_semaphore, #tpu.memory_space<semaphore_mem>>)
    %add3A_26 = arith.constant 3072 : i32
    %add3A_27 = arith.addi %mul3A_2, %add3A_26 : i32
    %dma_start3A_28 = arith.constant 3072 : i32
    %dma_start3A_29 = tpu.memref_slice %arg6[%dma_start3A_28] : memref<4096xi32, #tpu.memory_space<vmem>> -> memref<1024xi32, #tpu.memory_space<vmem>>
    %dma_start3A_30 = tpu.memref_slice %arg3[%add3A_27] : memref<65536xi32, #tpu.memory_space<hbm>> -> memref<1024xi32, #tpu.memory_space<hbm>>
    %dma_start3A_31 = arith.constant 3072 : i32
    %dma_start3A_32 = tpu.memref_slice %arg6[%dma_start3A_31] : memref<4096xi32, #tpu.memory_space<vmem>> -> memref<1024xi32, #tpu.memory_space<vmem>>
    %dma_start3A_33 = tpu.memref_slice %arg3[%add3A_27] : memref<65536xi32, #tpu.memory_space<hbm>> -> memref<1024xi32, #tpu.memory_space<hbm>>
    tpu.enqueue_dma source(%dma_start3A_33 : memref<1024xi32, #tpu.memory_space<hbm>>) target(%dma_start3A_32 : memref<1024xi32, #tpu.memory_space<vmem>>) target_semaphore(%arg12 : memref<!tpu.dma_semaphore, #tpu.memory_space<semaphore_mem>>)
    tpu.wait_dma2 semaphore(%arg8 : memref<!tpu.dma_semaphore, #tpu.memory_space<semaphore_mem>>) src(%arg2 : memref<961xf32, #tpu.memory_space<hbm>>) dst(%arg5 : memref<961xf32, #tpu.memory_space<vmem>>)
    %dma_wait3A = arith.constant 0 : i32
    %dma_wait3A_34 = tpu.memref_slice %arg6[%dma_wait3A] : memref<4096xi32, #tpu.memory_space<vmem>> -> memref<1024xi32, #tpu.memory_space<vmem>>
    %dma_wait3A_35 = tpu.memref_slice %arg3[%add3A_4] : memref<65536xi32, #tpu.memory_space<hbm>> -> memref<1024xi32, #tpu.memory_space<hbm>>
    %dma_wait3A_36 = arith.constant 0 : i32
    %dma_wait3A_37 = tpu.memref_slice %arg6[%dma_wait3A_36] : memref<4096xi32, #tpu.memory_space<vmem>> -> memref<1024xi32, #tpu.memory_space<vmem>>
    %dma_wait3A_38 = tpu.memref_slice %arg3[%add3A_4] : memref<65536xi32, #tpu.memory_space<hbm>> -> memref<1024xi32, #tpu.memory_space<hbm>>
    tpu.wait_dma2 semaphore(%arg9 : memref<!tpu.dma_semaphore, #tpu.memory_space<semaphore_mem>>) src(%dma_wait3A_38 : memref<1024xi32, #tpu.memory_space<hbm>>) dst(%dma_wait3A_37 : memref<1024xi32, #tpu.memory_space<vmem>>)
    %parallel_loop3A = arith.constant 0 : i32
    %parallel_loop3A_39 = arith.constant 64 : i32
    %parallel_loop3A_40 = arith.constant 1 : i32
    scf.for %parallel_loop3A_124 = %parallel_loop3A to %parallel_loop3A_39 step %parallel_loop3A_40  : i32 {
      %parallel_loop3A_125 = arith.constant 16 : i32
      %parallel_loop3A_126 = arith.muli %parallel_loop3A_124, %parallel_loop3A_125 : i32
      %parallel_loop3A_127 = arith.index_cast %parallel_loop3A_126 : i32 to index
      %parallel_loop3A_128 = tpu.vector_load %arg6[%parallel_loop3A_127] {strides = array<i32>} : memref<4096xi32, #tpu.memory_space<vmem>>, vector<16xi32>,
      %parallel_loop3A_129 = tpu.vector_load_idx %arg5[%parallel_loop3A_128] : memref<961xf32, #tpu.memory_space<vmem>>[vector<16xi32>], vector<16xf32>,
      %parallel_loop3A_130 = arith.index_cast %parallel_loop3A_126 : i32 to index
      %parallel_loop3A_131 = tpu.vector_load %arg7[%parallel_loop3A_130] {strides = array<i32>} : memref<4096xf32, #tpu.memory_space<vmem>>, vector<16xf32>,
      tpu.vector_store %arg7[%parallel_loop3A_130], %parallel_loop3A_129 {strides = array<i32>} : memref<4096xf32, #tpu.memory_space<vmem>>, vector<16xf32>,
    } {sc.loop_unroll_factor = 8 : i64, sc.parallel_access}
    %add3A_41 = arith.constant 0 : i32
    %add3A_42 = arith.addi %mul3A_2, %add3A_41 : i32
    %dma_start3A_43 = arith.constant 0 : i32
    %dma_start3A_44 = tpu.memref_slice %arg7[%dma_start3A_43] : memref<4096xf32, #tpu.memory_space<vmem>> -> memref<1024xf32, #tpu.memory_space<vmem>>
    %dma_start3A_45 = tpu.memref_slice %arg4[%add3A_42] : memref<65536xf32, #tpu.memory_space<hbm>> -> memref<1024xf32, #tpu.memory_space<hbm>>
    %dma_start3A_46 = tpu.memref_slice %arg4[%add3A_42] : memref<65536xf32, #tpu.memory_space<hbm>> -> memref<1024xf32, #tpu.memory_space<hbm>>
    %dma_start3A_47 = arith.constant 0 : i32
    %dma_start3A_48 = tpu.memref_slice %arg7[%dma_start3A_47] : memref<4096xf32, #tpu.memory_space<vmem>> -> memref<1024xf32, #tpu.memory_space<vmem>>
    tpu.enqueue_dma source(%dma_start3A_48 : memref<1024xf32, #tpu.memory_space<vmem>>) target(%dma_start3A_46 : memref<1024xf32, #tpu.memory_space<hbm>>) target_semaphore(%arg13 : memref<!tpu.dma_semaphore, #tpu.memory_space<semaphore_mem>>)
    %dma_wait3A_49 = arith.constant 1024 : i32
    %dma_wait3A_50 = tpu.memref_slice %arg6[%dma_wait3A_49] : memref<4096xi32, #tpu.memory_space<vmem>> -> memref<1024xi32, #tpu.memory_space<vmem>>
    %dma_wait3A_51 = tpu.memref_slice %arg3[%add3A_11] : memref<65536xi32, #tpu.memory_space<hbm>> -> memref<1024xi32, #tpu.memory_space<hbm>>
    %dma_wait3A_52 = arith.constant 1024 : i32
    %dma_wait3A_53 = tpu.memref_slice %arg6[%dma_wait3A_52] : memref<4096xi32, #tpu.memory_space<vmem>> -> memref<1024xi32, #tpu.memory_space<vmem>>
    %dma_wait3A_54 = tpu.memref_slice %arg3[%add3A_11] : memref<65536xi32, #tpu.memory_space<hbm>> -> memref<1024xi32, #tpu.memory_space<hbm>>
    tpu.wait_dma2 semaphore(%arg10 : memref<!tpu.dma_semaphore, #tpu.memory_space<semaphore_mem>>) src(%dma_wait3A_54 : memref<1024xi32, #tpu.memory_space<hbm>>) dst(%dma_wait3A_53 : memref<1024xi32, #tpu.memory_space<vmem>>)
    %parallel_loop3A_55 = arith.constant 64 : i32
    %parallel_loop3A_56 = arith.constant 128 : i32
    %parallel_loop3A_57 = arith.constant 1 : i32
    scf.for %parallel_loop3A_124 = %parallel_loop3A_55 to %parallel_loop3A_56 step %parallel_loop3A_57  : i32 {
      %parallel_loop3A_125 = arith.constant 16 : i32
      %parallel_loop3A_126 = arith.muli %parallel_loop3A_124, %parallel_loop3A_125 : i32
      %parallel_loop3A_127 = arith.index_cast %parallel_loop3A_126 : i32 to index
      %parallel_loop3A_128 = tpu.vector_load %arg6[%parallel_loop3A_127] {strides = array<i32>} : memref<4096xi32, #tpu.memory_space<vmem>>, vector<16xi32>,
      %parallel_loop3A_129 = tpu.vector_load_idx %arg5[%parallel_loop3A_128] : memref<961xf32, #tpu.memory_space<vmem>>[vector<16xi32>], vector<16xf32>,
      %parallel_loop3A_130 = arith.index_cast %parallel_loop3A_126 : i32 to index
      %parallel_loop3A_131 = tpu.vector_load %arg7[%parallel_loop3A_130] {strides = array<i32>} : memref<4096xf32, #tpu.memory_space<vmem>>, vector<16xf32>,
      tpu.vector_store %arg7[%parallel_loop3A_130], %parallel_loop3A_129 {strides = array<i32>} : memref<4096xf32, #tpu.memory_space<vmem>>, vector<16xf32>,
    } {sc.loop_unroll_factor = 8 : i64, sc.parallel_access}
    %add3A_58 = arith.constant 1024 : i32
    %add3A_59 = arith.addi %mul3A_2, %add3A_58 : i32
    %dma_start3A_60 = arith.constant 1024 : i32
    %dma_start3A_61 = tpu.memref_slice %arg7[%dma_start3A_60] : memref<4096xf32, #tpu.memory_space<vmem>> -> memref<1024xf32, #tpu.memory_space<vmem>>
    %dma_start3A_62 = tpu.memref_slice %arg4[%add3A_59] : memref<65536xf32, #tpu.memory_space<hbm>> -> memref<1024xf32, #tpu.memory_space<hbm>>
    %dma_start3A_63 = tpu.memref_slice %arg4[%add3A_59] : memref<65536xf32, #tpu.memory_space<hbm>> -> memref<1024xf32, #tpu.memory_space<hbm>>
    %dma_start3A_64 = arith.constant 1024 : i32
    %dma_start3A_65 = tpu.memref_slice %arg7[%dma_start3A_64] : memref<4096xf32, #tpu.memory_space<vmem>> -> memref<1024xf32, #tpu.memory_space<vmem>>
    tpu.enqueue_dma source(%dma_start3A_65 : memref<1024xf32, #tpu.memory_space<vmem>>) target(%dma_start3A_63 : memref<1024xf32, #tpu.memory_space<hbm>>) target_semaphore(%arg14 : memref<!tpu.dma_semaphore, #tpu.memory_space<semaphore_mem>>)
    %dma_wait3A_66 = arith.constant 2048 : i32
    %dma_wait3A_67 = tpu.memref_slice %arg6[%dma_wait3A_66] : memref<4096xi32, #tpu.memory_space<vmem>> -> memref<1024xi32, #tpu.memory_space<vmem>>
    %dma_wait3A_68 = tpu.memref_slice %arg3[%add3A_19] : memref<65536xi32, #tpu.memory_space<hbm>> -> memref<1024xi32, #tpu.memory_space<hbm>>
    %dma_wait3A_69 = arith.constant 2048 : i32
    %dma_wait3A_70 = tpu.memref_slice %arg6[%dma_wait3A_69] : memref<4096xi32, #tpu.memory_space<vmem>> -> memref<1024xi32, #tpu.memory_space<vmem>>
    %dma_wait3A_71 = tpu.memref_slice %arg3[%add3A_19] : memref<65536xi32, #tpu.memory_space<hbm>> -> memref<1024xi32, #tpu.memory_space<hbm>>
    tpu.wait_dma2 semaphore(%arg11 : memref<!tpu.dma_semaphore, #tpu.memory_space<semaphore_mem>>) src(%dma_wait3A_71 : memref<1024xi32, #tpu.memory_space<hbm>>) dst(%dma_wait3A_70 : memref<1024xi32, #tpu.memory_space<vmem>>)
    %parallel_loop3A_72 = arith.constant 128 : i32
    %parallel_loop3A_73 = arith.constant 192 : i32
    %parallel_loop3A_74 = arith.constant 1 : i32
    scf.for %parallel_loop3A_124 = %parallel_loop3A_72 to %parallel_loop3A_73 step %parallel_loop3A_74  : i32 {
      %parallel_loop3A_125 = arith.constant 16 : i32
      %parallel_loop3A_126 = arith.muli %parallel_loop3A_124, %parallel_loop3A_125 : i32
      %parallel_loop3A_127 = arith.index_cast %parallel_loop3A_126 : i32 to index
      %parallel_loop3A_128 = tpu.vector_load %arg6[%parallel_loop3A_127] {strides = array<i32>} : memref<4096xi32, #tpu.memory_space<vmem>>, vector<16xi32>,
      %parallel_loop3A_129 = tpu.vector_load_idx %arg5[%parallel_loop3A_128] : memref<961xf32, #tpu.memory_space<vmem>>[vector<16xi32>], vector<16xf32>,
      %parallel_loop3A_130 = arith.index_cast %parallel_loop3A_126 : i32 to index
      %parallel_loop3A_131 = tpu.vector_load %arg7[%parallel_loop3A_130] {strides = array<i32>} : memref<4096xf32, #tpu.memory_space<vmem>>, vector<16xf32>,
      tpu.vector_store %arg7[%parallel_loop3A_130], %parallel_loop3A_129 {strides = array<i32>} : memref<4096xf32, #tpu.memory_space<vmem>>, vector<16xf32>,
    } {sc.loop_unroll_factor = 8 : i64, sc.parallel_access}
    %add3A_75 = arith.constant 2048 : i32
    %add3A_76 = arith.addi %mul3A_2, %add3A_75 : i32
    %dma_start3A_77 = arith.constant 2048 : i32
    %dma_start3A_78 = tpu.memref_slice %arg7[%dma_start3A_77] : memref<4096xf32, #tpu.memory_space<vmem>> -> memref<1024xf32, #tpu.memory_space<vmem>>
    %dma_start3A_79 = tpu.memref_slice %arg4[%add3A_76] : memref<65536xf32, #tpu.memory_space<hbm>> -> memref<1024xf32, #tpu.memory_space<hbm>>
    %dma_start3A_80 = tpu.memref_slice %arg4[%add3A_76] : memref<65536xf32, #tpu.memory_space<hbm>> -> memref<1024xf32, #tpu.memory_space<hbm>>
    %dma_start3A_81 = arith.constant 2048 : i32
    %dma_start3A_82 = tpu.memref_slice %arg7[%dma_start3A_81] : memref<4096xf32, #tpu.memory_space<vmem>> -> memref<1024xf32, #tpu.memory_space<vmem>>
    tpu.enqueue_dma source(%dma_start3A_82 : memref<1024xf32, #tpu.memory_space<vmem>>) target(%dma_start3A_80 : memref<1024xf32, #tpu.memory_space<hbm>>) target_semaphore(%arg15 : memref<!tpu.dma_semaphore, #tpu.memory_space<semaphore_mem>>)
    %dma_wait3A_83 = arith.constant 3072 : i32
    %dma_wait3A_84 = tpu.memref_slice %arg6[%dma_wait3A_83] : memref<4096xi32, #tpu.memory_space<vmem>> -> memref<1024xi32, #tpu.memory_space<vmem>>
    %dma_wait3A_85 = tpu.memref_slice %arg3[%add3A_27] : memref<65536xi32, #tpu.memory_space<hbm>> -> memref<1024xi32, #tpu.memory_space<hbm>>
    %dma_wait3A_86 = arith.constant 3072 : i32
    %dma_wait3A_87 = tpu.memref_slice %arg6[%dma_wait3A_86] : memref<4096xi32, #tpu.memory_space<vmem>> -> memref<1024xi32, #tpu.memory_space<vmem>>
    %dma_wait3A_88 = tpu.memref_slice %arg3[%add3A_27] : memref<65536xi32, #tpu.memory_space<hbm>> -> memref<1024xi32, #tpu.memory_space<hbm>>
    tpu.wait_dma2 semaphore(%arg12 : memref<!tpu.dma_semaphore, #tpu.memory_space<semaphore_mem>>) src(%dma_wait3A_88 : memref<1024xi32, #tpu.memory_space<hbm>>) dst(%dma_wait3A_87 : memref<1024xi32, #tpu.memory_space<vmem>>)
    %parallel_loop3A_89 = arith.constant 192 : i32
    %parallel_loop3A_90 = arith.constant 256 : i32
    %parallel_loop3A_91 = arith.constant 1 : i32
    scf.for %parallel_loop3A_124 = %parallel_loop3A_89 to %parallel_loop3A_90 step %parallel_loop3A_91  : i32 {
      %parallel_loop3A_125 = arith.constant 16 : i32
      %parallel_loop3A_126 = arith.muli %parallel_loop3A_124, %parallel_loop3A_125 : i32
      %parallel_loop3A_127 = arith.index_cast %parallel_loop3A_126 : i32 to index
      %parallel_loop3A_128 = tpu.vector_load %arg6[%parallel_loop3A_127] {strides = array<i32>} : memref<4096xi32, #tpu.memory_space<vmem>>, vector<16xi32>,
      %parallel_loop3A_129 = tpu.vector_load_idx %arg5[%parallel_loop3A_128] : memref<961xf32, #tpu.memory_space<vmem>>[vector<16xi32>], vector<16xf32>,
      %parallel_loop3A_130 = arith.index_cast %parallel_loop3A_126 : i32 to index
      %parallel_loop3A_131 = tpu.vector_load %arg7[%parallel_loop3A_130] {strides = array<i32>} : memref<4096xf32, #tpu.memory_space<vmem>>, vector<16xf32>,
      tpu.vector_store %arg7[%parallel_loop3A_130], %parallel_loop3A_129 {strides = array<i32>} : memref<4096xf32, #tpu.memory_space<vmem>>, vector<16xf32>,
    } {sc.loop_unroll_factor = 8 : i64, sc.parallel_access}
    %add3A_92 = arith.constant 3072 : i32
    %add3A_93 = arith.addi %mul3A_2, %add3A_92 : i32
    %dma_start3A_94 = arith.constant 3072 : i32
    %dma_start3A_95 = tpu.memref_slice %arg7[%dma_start3A_94] : memref<4096xf32, #tpu.memory_space<vmem>> -> memref<1024xf32, #tpu.memory_space<vmem>>
    %dma_start3A_96 = tpu.memref_slice %arg4[%add3A_93] : memref<65536xf32, #tpu.memory_space<hbm>> -> memref<1024xf32, #tpu.memory_space<hbm>>
    %dma_start3A_97 = tpu.memref_slice %arg4[%add3A_93] : memref<65536xf32, #tpu.memory_space<hbm>> -> memref<1024xf32, #tpu.memory_space<hbm>>
    %dma_start3A_98 = arith.constant 3072 : i32
    %dma_start3A_99 = tpu.memref_slice %arg7[%dma_start3A_98] : memref<4096xf32, #tpu.memory_space<vmem>> -> memref<1024xf32, #tpu.memory_space<vmem>>
    tpu.enqueue_dma source(%dma_start3A_99 : memref<1024xf32, #tpu.memory_space<vmem>>) target(%dma_start3A_97 : memref<1024xf32, #tpu.memory_space<hbm>>) target_semaphore(%arg16 : memref<!tpu.dma_semaphore, #tpu.memory_space<semaphore_mem>>)
    %dma_wait3A_100 = arith.constant 0 : i32
    %dma_wait3A_101 = tpu.memref_slice %arg7[%dma_wait3A_100] : memref<4096xf32, #tpu.memory_space<vmem>> -> memref<1024xf32, #tpu.memory_space<vmem>>
    %dma_wait3A_102 = tpu.memref_slice %arg4[%add3A_42] : memref<65536xf32, #tpu.memory_space<hbm>> -> memref<1024xf32, #tpu.memory_space<hbm>>
    %dma_wait3A_103 = tpu.memref_slice %arg4[%add3A_42] : memref<65536xf32, #tpu.memory_space<hbm>> -> memref<1024xf32, #tpu.memory_space<hbm>>
    %dma_wait3A_104 = arith.constant 0 : i32
    %dma_wait3A_105 = tpu.memref_slice %arg7[%dma_wait3A_104] : memref<4096xf32, #tpu.memory_space<vmem>> -> memref<1024xf32, #tpu.memory_space<vmem>>
    tpu.wait_dma2 semaphore(%arg13 : memref<!tpu.dma_semaphore, #tpu.memory_space<semaphore_mem>>) src(%dma_wait3A_105 : memref<1024xf32, #tpu.memory_space<vmem>>) dst(%dma_wait3A_103 : memref<1024xf32, #tpu.memory_space<hbm>>)
    %dma_wait3A_106 = arith.constant 1024 : i32
    %dma_wait3A_107 = tpu.memref_slice %arg7[%dma_wait3A_106] : memref<4096xf32, #tpu.memory_space<vmem>> -> memref<1024xf32, #tpu.memory_space<vmem>>
    %dma_wait3A_108 = tpu.memref_slice %arg4[%add3A_59] : memref<65536xf32, #tpu.memory_space<hbm>> -> memref<1024xf32, #tpu.memory_space<hbm>>
    %dma_wait3A_109 = tpu.memref_slice %arg4[%add3A_59] : memref<65536xf32, #tpu.memory_space<hbm>> -> memref<1024xf32, #tpu.memory_space<hbm>>
    %dma_wait3A_110 = arith.constant 1024 : i32
    %dma_wait3A_111 = tpu.memref_slice %arg7[%dma_wait3A_110] : memref<4096xf32, #tpu.memory_space<vmem>> -> memref<1024xf32, #tpu.memory_space<vmem>>
    tpu.wait_dma2 semaphore(%arg14 : memref<!tpu.dma_semaphore, #tpu.memory_space<semaphore_mem>>) src(%dma_wait3A_111 : memref<1024xf32, #tpu.memory_space<vmem>>) dst(%dma_wait3A_109 : memref<1024xf32, #tpu.memory_space<hbm>>)
    %dma_wait3A_112 = arith.constant 2048 : i32
    %dma_wait3A_113 = tpu.memref_slice %arg7[%dma_wait3A_112] : memref<4096xf32, #tpu.memory_space<vmem>> -> memref<1024xf32, #tpu.memory_space<vmem>>
    %dma_wait3A_114 = tpu.memref_slice %arg4[%add3A_76] : memref<65536xf32, #tpu.memory_space<hbm>> -> memref<1024xf32, #tpu.memory_space<hbm>>
    %dma_wait3A_115 = tpu.memref_slice %arg4[%add3A_76] : memref<65536xf32, #tpu.memory_space<hbm>> -> memref<1024xf32, #tpu.memory_space<hbm>>
    %dma_wait3A_116 = arith.constant 2048 : i32
    %dma_wait3A_117 = tpu.memref_slice %arg7[%dma_wait3A_116] : memref<4096xf32, #tpu.memory_space<vmem>> -> memref<1024xf32, #tpu.memory_space<vmem>>
    tpu.wait_dma2 semaphore(%arg15 : memref<!tpu.dma_semaphore, #tpu.memory_space<semaphore_mem>>) src(%dma_wait3A_117 : memref<1024xf32, #tpu.memory_space<vmem>>) dst(%dma_wait3A_115 : memref<1024xf32, #tpu.memory_space<hbm>>)
    %dma_wait3A_118 = arith.constant 3072 : i32
    %dma_wait3A_119 = tpu.memref_slice %arg7[%dma_wait3A_118] : memref<4096xf32, #tpu.memory_space<vmem>> -> memref<1024xf32, #tpu.memory_space<vmem>>
    %dma_wait3A_120 = tpu.memref_slice %arg4[%add3A_93] : memref<65536xf32, #tpu.memory_space<hbm>> -> memref<1024xf32, #tpu.memory_space<hbm>>
    %dma_wait3A_121 = tpu.memref_slice %arg4[%add3A_93] : memref<65536xf32, #tpu.memory_space<hbm>> -> memref<1024xf32, #tpu.memory_space<hbm>>
    %dma_wait3A_122 = arith.constant 3072 : i32
    %dma_wait3A_123 = tpu.memref_slice %arg7[%dma_wait3A_122] : memref<4096xf32, #tpu.memory_space<vmem>> -> memref<1024xf32, #tpu.memory_space<vmem>>
    tpu.wait_dma2 semaphore(%arg16 : memref<!tpu.dma_semaphore, #tpu.memory_space<semaphore_mem>>) src(%dma_wait3A_123 : memref<1024xf32, #tpu.memory_space<vmem>>) dst(%dma_wait3A_121 : memref<1024xf32, #tpu.memory_space<hbm>>)
    return
  }
}

</mosaic_0001>

<sc_bundles>
// kernel: kernel.3.cloned.1.call-start
scs
__scs_entry_jumppad:
0x0: {  	(pc) =	sbr.rel $0x88, $3  }
0x1: {  	(tag) =	ssettag $0x0;
	lr =	simm.s32 $0x1  }
0x2: {  	[smem:$0x3F9F] =	sst lr;
	_ =	strace $0xD0000000  }
0x3: {  	_ = 	snop  }
0x4: {  	_ = 	snop  }
0x5: {  	_ = 	snop  }
0x6: {  	_ = 	snop  }
0x7: {  	_ = 	snop  }
__scs_overlays_trampoline_lowered:
0x8: {  	[smem:$0x3FAE] =	sst s0  }
0x9: {  	[smem:$0x3FAF] =	sst s1  }
0xa: {  	[smem:$0x3FB0] =	sst s2  }
0xb: {  	[smem:$0x3FB1] =	sst s3  }
0xc: {  	[smem:$0x3FB2] =	sst s4  }
0xd: {  	[smem:$0x3FB3] =	sst s5  }
0xe: {  	[smem:$0x3FB4] =	sst s6  }
0xf: {  	[smem:$0x3FB5] =	sst s7  }
0x10: {  	[smem:$0x3FB6] =	sst s8  }
0x11: {  	[smem:$0x3FB7] =	sst s9;
	s0 =	simm.s32 @!p0 $0x0  }
0x12: {  	s1 =	sld [smem:$0x3F9D];
	s0 =	simm.s32 @p0 $0x1  }
0x13: {  	[smem:$0x3FB8] =	sst s0;
	s0 =	simm.s32 @!p1 $0x0  }
0x14: {  	s2 =	sld [smem:$0x3F9C];
	s0 =	simm.s32 @p1 $0x1  }
0x15: {  	[smem:$0x3FB9] =	sst s0;
	s0 =	simm.s32 @!p2 $0x0  }
0x16: {  	s3 =	sld [smem:$0x3FDB];
	s0 =	simm.s32 @p2 $0x1  }
0x17: {  	s4 =	simm.s32 $0x1BF5;
	[smem:$0x3FBB] =	sst s0  }
0x18: {  	s0 =	sld [smem:$0x3F9E];
	_ =	swait.ge [sflag:s4], $0x0  }
0x19: {  	s7 =	sld [smem:$0x3F9F]  }
0x1a: {  	s8 =	sadd.s32 $0xFFFFE003, lr  }
0x1b: {  	s9 =	sadd.s32 $0xFFFFFEF7, lr;
	s5 =	simm.s32 $0xFFFFFFFF;
	p2 =	slt.u32 s8, $0xFFFFF086  }
0x1c: {  	p1 =	slt.u32 s9, $0xF7A;
	s5 =	simm.s32 @!p2 $0x0  }
0x1d: {  	s5 =	simm.s32 @p1 $0x1;
	p0 =	seq.s32 s7, s2  }
0x1e: {  	s7 =	smul.u32 @!p0 $0xF7A, s2;
	p2 =	seq.s32 @!p0 s5, $0x0  }
0x1f: {  	s9 =	smul.u32 $0xF7A, s1;
	s8 =	simm.s32 @!p0 $0x1BF5;
	p2 =	por !p2, p0  }
0x20: {  	[sflag:s8] =	ssyncset.s32 @!p0 $0xFFFFF086;
	s6 =	sadd.s32 @!p0 s3, s7;
	s7 =	simm.s32 @!p0 $0x108  }
0x21: {  	s3 =	sadd.s32 s3, s9;
	s6 =	sadd.s32 @!p0 $0x88, s6;
	s7 =	simm.s32 @p2 $0x1082  }
0x22: {  	[simem:s7], [sflag:s8] =	dma.local @!p0 [hbm:s6], $0xF7A  }
0x23: {  	s9 =	sor.u32 $0xD0000000, s2;
	s6 =	simm.s32 $0x108;
	_ =	swait.ge @!p0 [sflag:s8], $0x0  }
0x24: {  	s3 =	sadd.s32 $0x88, s3;
	s6 =	simm.s32 @!p1 $0x1082;
	[sflag:s4] =	ssyncset.s32 $0xFFFFF086  }
0x25: {  	[simem:s6], [sflag:s4] =	dma.local [hbm:s3], $0xF7A  }
0x26: {  	[smem:$0x3F9F] =	sst s1;
	(tag) =	ssettag s2;
	_ =	strace s9  }
0x27: {  	s1 =	sld [smem:$0x3FAF]  }
0x28: {  	s2 =	sld [smem:$0x3FB0]  }
0x29: {  	s4 =	sld [smem:$0x3FB2]  }
0x2a: {  	p0 =	seq.s32 s5, $0x0;
	s5 =	sld [smem:$0x3FB3]  }
0x2b: {  	s6 =	sld [smem:$0x3FB4]  }
0x2c: {  	s7 =	sld [smem:$0x3FB5]  }
0x2d: {  	s3 =	simm.s32 $0x108;
	s8 =	sld [smem:$0x3FB6]  }
0x2e: {  	s3 =	simm.s32 @!p0 $0x1082;
	s9 =	sld [smem:$0x3FB7]  }
0x2f: {  	lr =	sadd.s32 s0, s3;
	s0 =	sld [smem:$0x3FAE]  }
0x30: {  	s3 =	sld [smem:$0x3FB1]  }
0x31: {  	[smem:$0x3FBA] =	sst s10  }
0x32: {  	s10 =	sld [smem:$0x3FB8];
	_ =	sdelay $0x3  }
0x33: {  	p0 =	seq.s32 s10, $0x1;
	s10 =	sld [smem:$0x3FBA];
	_ =	sdelay $0x3  }
0x34: {  	[smem:$0x3FBA] =	sst s10  }
0x35: {  	s10 =	sld [smem:$0x3FB9];
	_ =	sdelay $0x3  }
0x36: {  	p1 =	seq.s32 s10, $0x1;
	s10 =	sld [smem:$0x3FBA];
	_ =	sdelay $0x3  }
0x37: {  	[smem:$0x3FBA] =	sst s10  }
0x38: {  	s10 =	sld [smem:$0x3FBB]  }
0x39: {  	_ = 	snop;
	(pc) =	sbr.ind lr, $3  }
0x3a: {  	_ = 	snop  }
0x3b: {  	_ = 	snop  }
0x3c: {  	p2 =	seq.s32 s10, $0x1;
	s10 =	sld [smem:$0x3FBA]  }
0x3d: {  	_ =	shalt  }
0x3e: {  	_ =	shalt  }
0x3f: {  	_ =	shalt  }
0x40: {  	_ =	shalt  }
0x41: {  	_ =	shalt  }
0x42: {  	_ =	shalt  }
0x43: {  	_ =	shalt  }
0x44: {  	_ =	shalt  }
0x45: {  	_ =	shalt  }
0x46: {  	_ =	shalt  }
0x47: {  	_ =	shalt  }
0x48: {  	_ =	shalt  }
0x49: {  	_ =	shalt  }
0x4a: {  	_ =	shalt  }
0x4b: {  	_ =	shalt  }
0x4c: {  	_ =	shalt  }
0x4d: {  	_ =	shalt  }
0x4e: {  	_ =	shalt  }
0x4f: {  	_ =	shalt  }
0x50: {  	_ =	shalt  }
0x51: {  	_ =	shalt  }
0x52: {  	_ =	shalt  }
0x53: {  	_ =	shalt  }
0x54: {  	_ =	shalt  }
0x55: {  	_ =	shalt  }
0x56: {  	_ =	shalt  }
0x57: {  	_ =	shalt  }
0x58: {  	_ =	shalt  }
0x59: {  	_ =	shalt  }
0x5a: {  	_ =	shalt  }
0x5b: {  	_ =	shalt  }
0x5c: {  	_ =	shalt  }
0x5d: {  	_ =	shalt  }
0x5e: {  	_ =	shalt  }
0x5f: {  	_ =	shalt  }
0x60: {  	_ =	shalt  }
0x61: {  	_ =	shalt  }
0x62: {  	_ =	shalt  }
0x63: {  	_ =	shalt  }
0x64: {  	_ =	shalt  }
0x65: {  	_ =	shalt  }
0x66: {  	_ =	shalt  }
0x67: {  	_ =	shalt  }
0x68: {  	_ =	shalt  }
0x69: {  	_ =	shalt  }
0x6a: {  	_ =	shalt  }
0x6b: {  	_ =	shalt  }
0x6c: {  	_ =	shalt  }
0x6d: {  	_ =	shalt  }
0x6e: {  	_ =	shalt  }
0x6f: {  	_ =	shalt  }
0x70: {  	_ =	shalt  }
0x71: {  	_ =	shalt  }
0x72: {  	_ =	shalt  }
0x73: {  	_ =	shalt  }
0x74: {  	_ =	shalt  }
0x75: {  	_ =	shalt  }
0x76: {  	_ =	shalt  }
0x77: {  	_ =	shalt  }
0x78: {  	_ =	shalt  }
0x79: {  	_ =	shalt  }
0x7a: {  	_ =	shalt  }
0x7b: {  	_ =	shalt  }
0x7c: {  	_ =	shalt  }
0x7d: {  	_ =	shalt  }
0x7e: {  	_ =	shalt  }
0x7f: {  	_ =	shalt  }
0x80: {  	_ =	shalt  }
0x81: {  	_ =	shalt  }
0x82: {  	_ =	shalt  }
0x83: {  	_ =	shalt  }
0x84: {  	_ =	shalt  }
0x85: {  	_ =	shalt  }
0x86: {  	_ =	shalt  }
0x87: {  	_ =	shalt  }
.Lfunc_end0:
.L_simem_size_0:
called_computation_lowered:
.L_overlay_start_0:
0x88: {  	s0 =	sld [smem:$0x3FD9]  }
0x89: {  	s1 =	sld [smem:$0x3FFE];
	_ =	sdelay $0x3  }
0x8a: {  	s0 =	sadd.s32 s1, s0  }
0x8b: {  	[smem:$0x3FC6] =	sst s0  }
0x8c: {  	_ = 	snop  }
0x8d: {  	s0 =	sld [smem:$0x3FC9]  }
0x8e: {  	s16 =	sld [smem:$0x3FD0];
	(tm) =	ssettm $0x1  }
0x8f: {  	s2 =	sld [smem:$0x3FFB];
	_ =	sdelay $0x3  }
0x90: {  	_ =	strace s2  }
0x91: {  	s2 =	sld [smem:$0x3FFC];
	_ =	sdelay $0x3  }
0x92: {  	_ =	strace s2  }
0x93: {  	s2 =	sld [smem:$0x3FFD];
	_ =	sdelay $0x3  }
0x94: {  	_ =	strace s2  }
0x95: {  	_ =	strace $0x8FFFFFFF  }
0x96: {  	s17 =	sld [smem:$0x3FDB];
	_ =	sdelay $0x1  }
0x97: {  	s3 =	simm.s32 $_scs_section_size  }
0x98: {  	s4 =	simm.s32 $_size__tile_overlayer_lowered;
	s5 =	simm.s32 $_tile_overlayer_lowered  }
0x99: {  	s20 =	simm.s32 $0x1BFF;
	s19 =	sshll.u32 s5, $0x1;
	s2 =	sadd.s32 s3, s17  }
0x9a: {  	s6 =	simm.s32 $0x0;
	s18 =	sshll.u32 s4, $0x1;
	s4 =	sadd.s32 s19, s2  }
0x9b: {  	[timem:s6], [sflag:s20] =	dma.local [hbm:s4], s18  }
0x9c: {  	_ =	swait.ge [sflag:s20], s18  }
0x9d: {  	s3 =	ssub.s32 $0x0, s18;
	[sflag:s20] =	ssyncset.done $0x0  }
0x9e: {  	[sflag:s20] =	ssyncadd.s32 s3;
	_ =	sdelay $0x1  }
0x9f: {  	s21 =	simm.s32 $0x1B8B  }
0xa0: {  	_ =	swait.ge [sflag:s21], $0x1  }
0xa1: {  	[sflag:s21] =	ssyncset.done $0x0  }
0xa2: {  	s23 =	simm.s32 $0x1B8E;
	s22 =	sld [smem:$0x3FFE];
	[sflag:s21] =	ssyncadd.s32 $0xFFFFFFFF  }
0xa3: {  	s24 =	simm.s32 $execute0_lowered;
	[smem:$0x3FD2] =	sst s23  }
0xa4: {  	s4 =	sshll.u32 s24, $0x1;
	_ =	strace $0x80000046;
	[dreg:$0x1] =	wrdreg $0xFFFFFFFF  }
0xa5: {  	s25 =	simm.s32 $_size_execute0_lowered;
	s2 =	sadd.s32 s2, s4;
	[dreg:$0x0] =	wrdreg $0x0  }
0xa6: {  	s4 =	sshll.u32 s25, $0x1;
	[dreg:$0x2] =	wrdreg s2  }
0xa7: {  	[dreg:$0x3] =	wrdreg s4  }
0xa8: {  	[dreg:$0x4] =	wrdreg $0xC0  }
0xa9: {  	_ =	task [dreg:s6], $0x5FFFF  }
0xaa: {  	[dreg:$0x1] =	wrdreg $0xFFFFFFFF  }
0xab: {  	[dreg:$0x0] =	wrdreg $0x60  }
0xac: {  	[dreg:$0x2] =	wrdreg s0  }
0xad: {  	[dreg:$0x3] =	wrdreg s16  }
0xae: {  	[dreg:$0x4] =	wrdreg s22  }
0xaf: {  	[dreg:$0x5] =	wrdreg $0x9  }
0xb0: {  	_ =	task.clear_ibuf [dreg:s6], $0x6FFFF;
	_ =	strace $0x90000046  }
0xb1: {  	s26 =	simm.s32 $0x9;
	_ =	strace $0x80000048  }
0xb2: {  	_ =	swait.ge [sflag:s26], $0x1  }
0xb3: {  	[sflag:s26] =	ssyncadd.s32 $0xFFFFFFFF  }
0xb4: {  	_ =	strace $0x90000048  }
0xb5: {  	_ =	sfence  }
0xb6: {  	s28 =	sld [smem:$0x0];
	_ =	sdelay $0x1  }
0xb7: {  	s29 =	srdreg.scid  }
0xb8: {  	s30 =	sshll.u32 s29, $0xD;
	s31 =	sshrl.u32 s29, $0x2  }
0xb9: {  	s1 =	sand.u32 $0x1, s29;
	s2 =	sand.u32 $0x4000, s30;
	s0 =	sadd.s32 s31, s28  }
0xba: {  	s1 =	sor.u32 s2, s1;
	s0 =	sshll.u32 s0, $0x11  }
0xbb: {  	s0 =	sor.u32 s0, s1  }
0xbc: {  	s0 =	sadd.s32 $0x8F2B, s0  }
0xbd: {  	[sflag:s0] =	ssyncadd.remote.s32 $0x1  }
0xbe: {  	_ =	sfence.sel $0xFFFF  }
0xbf: {  	[dreg:$0x0] =	wrdreg $0xFFFFFFFF;
	(pc) =	sbr.abs _section_cstart, $3  }
0xc0: {  	[dreg:$0x1] =	wrdreg $0xFFFFFFFF  }
0xc1: {  	_ =	task.clear_ibuf [dreg:s6], $0x2FFFF;
	_ =	strace $0x9FFFFFFF  }
0xc2: {  	(tm) =	ssettm $0x7FFFFFFF  }
0xc3: {  	_ =	shalt  }
tec
execute0_lowered:
.L_overlay_start_1:
0x0: {  	(tag) =	ssettag $0x1  }
0x1: {  	s2 =	rddreg [dreg:$0x0]  }
0x2: {  	s3 =	rddreg [dreg:$0x1]  }
0x3: {  	s9 =	rddreg [dreg:$0x2];
	s7 =	simm.s32 $0x0  }
0x4: {  	s1 =	stileid.u32;
	[smem:$0x7FF] =	sst s7  }
0x5: {  	s0 =	rddreg [dreg:$0x3];
	s6 =	sshll.u32 s1, $0x9;
	_ =	strace $0x80000047  }
0x6: {  	[tilespmem:s7], [sflag:$0x1] =	stream.linear.gather [hbm4b:s2+s7], $0x400, $0x38;
	[tilespmem:$0x2400] =	vst v63  }
0x7: {  	s4 =	simm.s32 $0x400;
	s24 =	sadd.s32 s3, s6;
	s5 =	sor.u32 $0x80, s6  }
0x8: {  	[tilespmem:s4], [sflag:$0x2] =	stream.linear.gather [hbm4b:s24+s7], $0x400, $0x38;
	[tilespmem:$0x2400] =	vst v63  }
0x9: {  	s8 =	simm.s32 $0x800;
	s25 =	sadd.s32 s3, s5;
	s4 =	sor.u32 $0x100, s6  }
0xa: {  	[tilespmem:s8], [sflag:$0x3] =	stream.linear.gather [hbm4b:s25+s7], $0x400, $0x38;
	[tilespmem:$0x2400] =	vst v63  }
0xb: {  	s10 =	simm.s32 $0xC00;
	s2 =	sor.u32 $0x180, s6;
	s26 =	sadd.s32 s3, s4  }
0xc: {  	[tilespmem:s10], [sflag:$0x4] =	stream.linear.gather [hbm4b:s26+s7], $0x400, $0x38;
	[tilespmem:$0x2400] =	vst v63  }
0xd: {  	s28 =	simm.s32 $0x1000;
	s29 =	simm.s32 $0x1;
	s3 =	sadd.s32 s3, s2  }
0xe: {  	[tilespmem:s28], [sflag:$0x5] =	stream.linear.gather [hbm4b:s3+s7], $0x400, $0x38;
	[tilespmem:$0x2400] =	vst v63  }
0xf: {  	_ =	swait.ge [sflag:s29], $0x400  }
0x10: {  	[sflag:s29] =	ssyncset.done $0x0  }
0x11: {  	s30 =	simm.s32 $0x2;
	[sflag:s29] =	ssyncadd.s32 $0xFFFFFC00  }
0x12: {  	_ =	swait.ge [sflag:s30], $0x400  }
0x13: {  	[sflag:s30] =	ssyncset.done $0x0  }
0x14: {  	s31 =	simm.s32 $0x440;
	[sflag:s30] =	ssyncadd.s32 $0xFFFFFC00  }
0x15: {  	v0 =	vld [tilespmem:s31+$0x30]  }
0x16: {  	v1 =	vld [tilespmem:s31+$0xFFFFFFD0]  }
0x17: {  	v2 =	vld [tilespmem:s31+$0xFFFFFFE0]  }
0x18: {  	v3 =	vld [tilespmem:s31+$0xFFFFFFF0]  }
0x19: {  	v5 =	vld [tilespmem:s31+$0x0]  }
0x1a: {  	v6 =	vld [tilespmem:s31+$0x10]  }
0x1b: {  	v7 =	vld [tilespmem:s31+$0x20]  }
0x1c: {  	v8 =	vld [tilespmem:s31+$0xFFFFFFC0]  }
0x1d: {  	v9 =	vld.idx.msk [tilespmem:v0+s7+$0x0], $0xffff  }
0x1e: {  	v10 =	vld.idx.msk [tilespmem:v1+s7+$0x0], $0xffff  }
0x1f: {  	v4 =	vld.idx.msk [tilespmem:v2+s7+$0x0], $0xffff  }
0x20: {  	v3 =	vld.idx.msk [tilespmem:v3+s7+$0x0], $0xffff  }
0x21: {  	v0 =	vld.idx.msk [tilespmem:v5+s7+$0x0], $0xffff  }
0x22: {  	s8 =	simm.s32 $0x1440;
	v1 =	vld.idx.msk [tilespmem:v6+s7+$0x0], $0xffff  }
0x23: {  	v2 =	vld.idx.msk [tilespmem:v7+s7+$0x0], $0xffff;
	[tilespmem:s8+$0x30] =	vst v9  }
0x24: {  	s10 =	simm.s32 $0x4C0;
	s3 =	sadd.s32 $0x400, s9;
	s9 =	simm.s32 $0x0;
	v5 =	vld.idx.msk [tilespmem:v8+s7+$0x0], $0xffff;
	[tilespmem:s8+$0xFFFFFFD0] =	vst v10  }
.LBB2_1:
0x25: {  	v6 =	vld [tilespmem:s10+$0x30];
	s9 =	sadd.s32 $0x8, s9;
	[tilespmem:s8+$0xFFFFFFE0] =	vst v4  }
0x26: {  	v4 =	vld [tilespmem:s10+$0xFFFFFFD0];
	p0 =	slt.u32 s9, $0x38;
	[tilespmem:s8+$0xFFFFFFF0] =	vst v3  }
0x27: {  	v3 =	vld [tilespmem:s10+$0xFFFFFFE0];
	[tilespmem:s8+$0x0] =	vst v0  }
0x28: {  	v0 =	vld [tilespmem:s10+$0xFFFFFFF0];
	[tilespmem:s8+$0x10] =	vst v1  }
0x29: {  	v1 =	vld [tilespmem:s10+$0x0];
	[tilespmem:s8+$0x20] =	vst v2  }
0x2a: {  	v2 =	vld [tilespmem:s10+$0x10];
	[tilespmem:s8+$0xFFFFFFC0] =	vst v5  }
0x2b: {  	v5 =	vld [tilespmem:s10+$0x20]  }
0x2c: {  	v7 =	vld [tilespmem:s10+$0xFFFFFFC0]  }
0x2d: {  	v6 =	vld.idx.msk [tilespmem:v6+s7+$0x0], $0xffff  }
0x2e: {  	v8 =	vld.idx.msk [tilespmem:v4+s7+$0x0], $0xffff  }
0x2f: {  	v4 =	vld.idx.msk [tilespmem:v3+s7+$0x0], $0xffff  }
.Ltmp0:
0x30: {  	v3 =	vld.idx.msk [tilespmem:v0+s7+$0x0], $0xffff;
	(pc) =	sbr.rel @p0 .LBB2_1-.Ltmp0, $4  }
0x31: {  	v0 =	vld.idx.msk [tilespmem:v1+s7+$0x0], $0xffff  }
0x32: {  	s8 =	sadd.s32 $0x80, s8;
	v1 =	vld.idx.msk [tilespmem:v2+s7+$0x0], $0xffff  }
0x33: {  	v2 =	vld.idx.msk [tilespmem:v5+s7+$0x0], $0xffff;
	[tilespmem:s8+$0x30] =	vst v6  }
0x34: {  	s10 =	sadd.s32 $0x80, s10;
	v5 =	vld.idx.msk [tilespmem:v7+s7+$0x0], $0xffff;
	[tilespmem:s8+$0xFFFFFFD0] =	vst v8  }
0x35: {  	[tilespmem:s8+$0xFFFFFFE0] =	vst v4  }
0x36: {  	[tilespmem:s8+$0xFFFFFFF0] =	vst v3  }
0x37: {  	[tilespmem:s8+$0x0] =	vst v0  }
0x38: {  	[tilespmem:s8+$0x10] =	vst v1  }
0x39: {  	s7 =	sadd.s32 s3, s6;
	[tilespmem:s8+$0x20] =	vst v2  }
0x3a: {  	s6 =	simm.s32 $0x0;
	s29 =	simm.s32 $0x1400;
	s30 =	simm.s32 $0x3;
	[tilespmem:s8+$0xFFFFFFC0] =	vst v5  }
0x3b: {  	[hbm4b:s7+s6] =	stream.linear.scatter [tilespmem:s29], [sflag:$0x6], $0x400, $0x38;
	[tilespmem:$0x2400] =	vst v63  }
0x3c: {  	_ =	swait.ge [sflag:s30], $0x400  }
0x3d: {  	[sflag:s30] =	ssyncset.done $0x0  }
0x3e: {  	s31 =	simm.s32 $0x870;
	[sflag:s30] =	ssyncadd.s32 $0xFFFFFC00  }
0x3f: {  	v0 =	vld [tilespmem:s31+$0x0]  }
0x40: {  	v1 =	vld [tilespmem:s31+$0xFFFFFFA0]  }
0x41: {  	v2 =	vld [tilespmem:s31+$0xFFFFFFB0]  }
0x42: {  	v3 =	vld [tilespmem:s31+$0xFFFFFFC0]  }
0x43: {  	v4 =	vld [tilespmem:s31+$0xFFFFFFD0]  }
0x44: {  	v6 =	vld [tilespmem:s31+$0xFFFFFFE0]  }
0x45: {  	v7 =	vld [tilespmem:s31+$0xFFFFFFF0]  }
0x46: {  	v8 =	vld [tilespmem:s31+$0xFFFFFF90]  }
0x47: {  	v9 =	vld.idx.msk [tilespmem:v0+s6+$0x0], $0xffff  }
0x48: {  	v10 =	vld.idx.msk [tilespmem:v1+s6+$0x0], $0xffff  }
0x49: {  	v5 =	vld.idx.msk [tilespmem:v2+s6+$0x0], $0xffff  }
0x4a: {  	v3 =	vld.idx.msk [tilespmem:v3+s6+$0x0], $0xffff  }
0x4b: {  	v0 =	vld.idx.msk [tilespmem:v4+s6+$0x0], $0xffff  }
0x4c: {  	s7 =	simm.s32 $0x1870;
	v1 =	vld.idx.msk [tilespmem:v6+s6+$0x0], $0xffff  }
0x4d: {  	v2 =	vld.idx.msk [tilespmem:v7+s6+$0x0], $0xffff;
	[tilespmem:s7+$0x0] =	vst v9  }
0x4e: {  	s9 =	simm.s32 $0x8F0;
	s8 =	simm.s32 $0x40;
	v4 =	vld.idx.msk [tilespmem:v8+s6+$0x0], $0xffff;
	[tilespmem:s7+$0xFFFFFFA0] =	vst v10  }
.LBB2_3:
0x4f: {  	v6 =	vld [tilespmem:s9+$0x0];
	s8 =	sadd.s32 $0x8, s8;
	[tilespmem:s7+$0xFFFFFFB0] =	vst v5  }
0x50: {  	v5 =	vld [tilespmem:s9+$0xFFFFFFA0];
	p0 =	slt.u32 s8, $0x78;
	[tilespmem:s7+$0xFFFFFFC0] =	vst v3  }
0x51: {  	v3 =	vld [tilespmem:s9+$0xFFFFFFB0];
	[tilespmem:s7+$0xFFFFFFD0] =	vst v0  }
0x52: {  	v0 =	vld [tilespmem:s9+$0xFFFFFFC0];
	[tilespmem:s7+$0xFFFFFFE0] =	vst v1  }
0x53: {  	v1 =	vld [tilespmem:s9+$0xFFFFFFD0];
	[tilespmem:s7+$0xFFFFFFF0] =	vst v2  }
0x54: {  	v2 =	vld [tilespmem:s9+$0xFFFFFFE0];
	[tilespmem:s7+$0xFFFFFF90] =	vst v4  }
0x55: {  	v4 =	vld [tilespmem:s9+$0xFFFFFFF0]  }
0x56: {  	v7 =	vld [tilespmem:s9+$0xFFFFFF90]  }
0x57: {  	v6 =	vld.idx.msk [tilespmem:v6+s6+$0x0], $0xffff  }
0x58: {  	v8 =	vld.idx.msk [tilespmem:v5+s6+$0x0], $0xffff  }
0x59: {  	v5 =	vld.idx.msk [tilespmem:v3+s6+$0x0], $0xffff  }
.Ltmp1:
0x5a: {  	v3 =	vld.idx.msk [tilespmem:v0+s6+$0x0], $0xffff;
	(pc) =	sbr.rel @p0 .LBB2_3-.Ltmp1, $4  }
0x5b: {  	v0 =	vld.idx.msk [tilespmem:v1+s6+$0x0], $0xffff  }
0x5c: {  	s7 =	sadd.s32 $0x80, s7;
	v1 =	vld.idx.msk [tilespmem:v2+s6+$0x0], $0xffff  }
0x5d: {  	v2 =	vld.idx.msk [tilespmem:v4+s6+$0x0], $0xffff;
	[tilespmem:s7+$0x0] =	vst v6  }
0x5e: {  	s9 =	sadd.s32 $0x80, s9;
	v4 =	vld.idx.msk [tilespmem:v7+s6+$0x0], $0xffff;
	[tilespmem:s7+$0xFFFFFFA0] =	vst v8  }
0x5f: {  	[tilespmem:s7+$0xFFFFFFB0] =	vst v5  }
0x60: {  	[tilespmem:s7+$0xFFFFFFC0] =	vst v3  }
0x61: {  	[tilespmem:s7+$0xFFFFFFD0] =	vst v0  }
0x62: {  	[tilespmem:s7+$0xFFFFFFE0] =	vst v1  }
0x63: {  	s6 =	sadd.s32 s3, s5;
	[tilespmem:s7+$0xFFFFFFF0] =	vst v2  }
0x64: {  	s5 =	simm.s32 $0x0;
	s29 =	simm.s32 $0x1800;
	s30 =	simm.s32 $0x4;
	[tilespmem:s7+$0xFFFFFF90] =	vst v4  }
0x65: {  	[hbm4b:s6+s5] =	stream.linear.scatter [tilespmem:s29], [sflag:$0x7], $0x400, $0x38;
	[tilespmem:$0x2400] =	vst v63  }
0x66: {  	_ =	swait.ge [sflag:s30], $0x400  }
0x67: {  	[sflag:s30] =	ssyncset.done $0x0  }
0x68: {  	s31 =	simm.s32 $0xC70;
	[sflag:s30] =	ssyncadd.s32 $0xFFFFFC00  }
0x69: {  	v0 =	vld [tilespmem:s31+$0x0]  }
0x6a: {  	v1 =	vld [tilespmem:s31+$0xFFFFFFA0]  }
0x6b: {  	v2 =	vld [tilespmem:s31+$0xFFFFFFB0]  }
0x6c: {  	v3 =	vld [tilespmem:s31+$0xFFFFFFC0]  }
0x6d: {  	v4 =	vld [tilespmem:s31+$0xFFFFFFD0]  }
0x6e: {  	v6 =	vld [tilespmem:s31+$0xFFFFFFE0]  }
0x6f: {  	v7 =	vld [tilespmem:s31+$0xFFFFFFF0]  }
0x70: {  	v8 =	vld [tilespmem:s31+$0xFFFFFF90]  }
0x71: {  	v9 =	vld.idx.msk [tilespmem:v0+s5+$0x0], $0xffff  }
0x72: {  	v10 =	vld.idx.msk [tilespmem:v1+s5+$0x0], $0xffff  }
0x73: {  	v5 =	vld.idx.msk [tilespmem:v2+s5+$0x0], $0xffff  }
0x74: {  	v3 =	vld.idx.msk [tilespmem:v3+s5+$0x0], $0xffff  }
0x75: {  	v0 =	vld.idx.msk [tilespmem:v4+s5+$0x0], $0xffff  }
0x76: {  	s6 =	simm.s32 $0x1C70;
	v1 =	vld.idx.msk [tilespmem:v6+s5+$0x0], $0xffff  }
0x77: {  	v2 =	vld.idx.msk [tilespmem:v7+s5+$0x0], $0xffff;
	[tilespmem:s6+$0x0] =	vst v9  }
0x78: {  	s8 =	simm.s32 $0xCF0;
	s7 =	simm.s32 $0x80;
	v4 =	vld.idx.msk [tilespmem:v8+s5+$0x0], $0xffff;
	[tilespmem:s6+$0xFFFFFFA0] =	vst v10  }
.LBB2_5:
0x79: {  	v6 =	vld [tilespmem:s8+$0x0];
	s7 =	sadd.s32 $0x8, s7;
	[tilespmem:s6+$0xFFFFFFB0] =	vst v5  }
0x7a: {  	v5 =	vld [tilespmem:s8+$0xFFFFFFA0];
	p0 =	slt.u32 s7, $0xB8;
	[tilespmem:s6+$0xFFFFFFC0] =	vst v3  }
0x7b: {  	v3 =	vld [tilespmem:s8+$0xFFFFFFB0];
	[tilespmem:s6+$0xFFFFFFD0] =	vst v0  }
0x7c: {  	v0 =	vld [tilespmem:s8+$0xFFFFFFC0];
	[tilespmem:s6+$0xFFFFFFE0] =	vst v1  }
0x7d: {  	v1 =	vld [tilespmem:s8+$0xFFFFFFD0];
	[tilespmem:s6+$0xFFFFFFF0] =	vst v2  }
0x7e: {  	v2 =	vld [tilespmem:s8+$0xFFFFFFE0];
	[tilespmem:s6+$0xFFFFFF90] =	vst v4  }
0x7f: {  	v4 =	vld [tilespmem:s8+$0xFFFFFFF0]  }
0x80: {  	v7 =	vld [tilespmem:s8+$0xFFFFFF90]  }
0x81: {  	v6 =	vld.idx.msk [tilespmem:v6+s5+$0x0], $0xffff  }
0x82: {  	v8 =	vld.idx.msk [tilespmem:v5+s5+$0x0], $0xffff  }
0x83: {  	v5 =	vld.idx.msk [tilespmem:v3+s5+$0x0], $0xffff  }
.Ltmp2:
0x84: {  	v3 =	vld.idx.msk [tilespmem:v0+s5+$0x0], $0xffff;
	(pc) =	sbr.rel @p0 .LBB2_5-.Ltmp2, $4  }
0x85: {  	v0 =	vld.idx.msk [tilespmem:v1+s5+$0x0], $0xffff  }
0x86: {  	s6 =	sadd.s32 $0x80, s6;
	v1 =	vld.idx.msk [tilespmem:v2+s5+$0x0], $0xffff  }
0x87: {  	v2 =	vld.idx.msk [tilespmem:v4+s5+$0x0], $0xffff;
	[tilespmem:s6+$0x0] =	vst v6  }
0x88: {  	s8 =	sadd.s32 $0x80, s8;
	v4 =	vld.idx.msk [tilespmem:v7+s5+$0x0], $0xffff;
	[tilespmem:s6+$0xFFFFFFA0] =	vst v8  }
0x89: {  	[tilespmem:s6+$0xFFFFFFB0] =	vst v5  }
0x8a: {  	[tilespmem:s6+$0xFFFFFFC0] =	vst v3  }
0x8b: {  	[tilespmem:s6+$0xFFFFFFD0] =	vst v0  }
0x8c: {  	[tilespmem:s6+$0xFFFFFFE0] =	vst v1  }
0x8d: {  	s5 =	sadd.s32 s3, s4;
	[tilespmem:s6+$0xFFFFFFF0] =	vst v2  }
0x8e: {  	s4 =	simm.s32 $0x0;
	s29 =	simm.s32 $0x1C00;
	s30 =	simm.s32 $0x5;
	[tilespmem:s6+$0xFFFFFF90] =	vst v4  }
0x8f: {  	[hbm4b:s5+s4] =	stream.linear.scatter [tilespmem:s29], [sflag:$0x8], $0x400, $0x38;
	[tilespmem:$0x2400] =	vst v63  }
0x90: {  	_ =	swait.ge [sflag:s30], $0x400  }
0x91: {  	[sflag:s30] =	ssyncset.done $0x0  }
0x92: {  	s31 =	simm.s32 $0x1070;
	[sflag:s30] =	ssyncadd.s32 $0xFFFFFC00  }
0x93: {  	v0 =	vld [tilespmem:s31+$0x0]  }
0x94: {  	v1 =	vld [tilespmem:s31+$0xFFFFFFA0]  }
0x95: {  	v2 =	vld [tilespmem:s31+$0xFFFFFFB0]  }
0x96: {  	v3 =	vld [tilespmem:s31+$0xFFFFFFC0]  }
0x97: {  	v4 =	vld [tilespmem:s31+$0xFFFFFFD0]  }
0x98: {  	v6 =	vld [tilespmem:s31+$0xFFFFFFE0]  }
0x99: {  	v7 =	vld [tilespmem:s31+$0xFFFFFFF0]  }
0x9a: {  	v8 =	vld [tilespmem:s31+$0xFFFFFF90]  }
0x9b: {  	v9 =	vld.idx.msk [tilespmem:v0+s4+$0x0], $0xffff  }
0x9c: {  	v10 =	vld.idx.msk [tilespmem:v1+s4+$0x0], $0xffff  }
0x9d: {  	v5 =	vld.idx.msk [tilespmem:v2+s4+$0x0], $0xffff  }
0x9e: {  	v3 =	vld.idx.msk [tilespmem:v3+s4+$0x0], $0xffff  }
0x9f: {  	v0 =	vld.idx.msk [tilespmem:v4+s4+$0x0], $0xffff  }
0xa0: {  	s5 =	simm.s32 $0x2070;
	v1 =	vld.idx.msk [tilespmem:v6+s4+$0x0], $0xffff  }
0xa1: {  	v2 =	vld.idx.msk [tilespmem:v7+s4+$0x0], $0xffff;
	[tilespmem:s5+$0x0] =	vst v9  }
0xa2: {  	s7 =	simm.s32 $0x10F0;
	s6 =	simm.s32 $0xC0;
	v4 =	vld.idx.msk [tilespmem:v8+s4+$0x0], $0xffff;
	[tilespmem:s5+$0xFFFFFFA0] =	vst v10  }
.LBB2_7:
0xa3: {  	v6 =	vld [tilespmem:s7+$0x0];
	s6 =	sadd.s32 $0x8, s6;
	[tilespmem:s5+$0xFFFFFFB0] =	vst v5  }
0xa4: {  	v5 =	vld [tilespmem:s7+$0xFFFFFFA0];
	p0 =	slt.u32 s6, $0xF8;
	[tilespmem:s5+$0xFFFFFFC0] =	vst v3  }
0xa5: {  	v3 =	vld [tilespmem:s7+$0xFFFFFFB0];
	[tilespmem:s5+$0xFFFFFFD0] =	vst v0  }
0xa6: {  	v0 =	vld [tilespmem:s7+$0xFFFFFFC0];
	[tilespmem:s5+$0xFFFFFFE0] =	vst v1  }
0xa7: {  	v1 =	vld [tilespmem:s7+$0xFFFFFFD0];
	[tilespmem:s5+$0xFFFFFFF0] =	vst v2  }
0xa8: {  	v2 =	vld [tilespmem:s7+$0xFFFFFFE0];
	[tilespmem:s5+$0xFFFFFF90] =	vst v4  }
0xa9: {  	v4 =	vld [tilespmem:s7+$0xFFFFFFF0]  }
0xaa: {  	v7 =	vld [tilespmem:s7+$0xFFFFFF90]  }
0xab: {  	v6 =	vld.idx.msk [tilespmem:v6+s4+$0x0], $0xffff  }
0xac: {  	v8 =	vld.idx.msk [tilespmem:v5+s4+$0x0], $0xffff  }
0xad: {  	v5 =	vld.idx.msk [tilespmem:v3+s4+$0x0], $0xffff  }
.Ltmp3:
0xae: {  	v3 =	vld.idx.msk [tilespmem:v0+s4+$0x0], $0xffff;
	(pc) =	sbr.rel @p0 .LBB2_7-.Ltmp3, $4  }
0xaf: {  	v0 =	vld.idx.msk [tilespmem:v1+s4+$0x0], $0xffff  }
0xb0: {  	s5 =	sadd.s32 $0x80, s5;
	v1 =	vld.idx.msk [tilespmem:v2+s4+$0x0], $0xffff  }
0xb1: {  	v2 =	vld.idx.msk [tilespmem:v4+s4+$0x0], $0xffff;
	[tilespmem:s5+$0x0] =	vst v6  }
0xb2: {  	s7 =	sadd.s32 $0x80, s7;
	v4 =	vld.idx.msk [tilespmem:v7+s4+$0x0], $0xffff;
	[tilespmem:s5+$0xFFFFFFA0] =	vst v8  }
0xb3: {  	[tilespmem:s5+$0xFFFFFFB0] =	vst v5  }
0xb4: {  	[tilespmem:s5+$0xFFFFFFC0] =	vst v3  }
0xb5: {  	[tilespmem:s5+$0xFFFFFFD0] =	vst v0  }
0xb6: {  	[tilespmem:s5+$0xFFFFFFE0] =	vst v1  }
0xb7: {  	s2 =	sadd.s32 s3, s2;
	[tilespmem:s5+$0xFFFFFFF0] =	vst v2  }
0xb8: {  	s26 =	simm.s32 $0x0;
	s4 =	simm.s32 $0x2000;
	s28 =	simm.s32 $0x6;
	[tilespmem:s5+$0xFFFFFF90] =	vst v4  }
0xb9: {  	[hbm4b:s2+s26] =	stream.linear.scatter [tilespmem:s4], [sflag:$0x9], $0x400, $0x38;
	[tilespmem:$0x2400] =	vst v63  }
0xba: {  	_ =	swait.ge [sflag:s28], $0x400  }
0xbb: {  	[sflag:s28] =	ssyncset.done $0x0  }
0xbc: {  	s29 =	simm.s32 $0x7;
	[sflag:s28] =	ssyncadd.s32 $0xFFFFFC00  }
0xbd: {  	_ =	swait.ge [sflag:s29], $0x400  }
0xbe: {  	[sflag:s29] =	ssyncset.done $0x0  }
0xbf: {  	s30 =	simm.s32 $0x8;
	[sflag:s29] =	ssyncadd.s32 $0xFFFFFC00  }
0xc0: {  	_ =	swait.ge [sflag:s30], $0x400  }
0xc1: {  	[sflag:s30] =	ssyncset.done $0x0  }
0xc2: {  	s31 =	simm.s32 $0x9;
	[sflag:s30] =	ssyncadd.s32 $0xFFFFFC00  }
0xc3: {  	_ =	swait.ge [sflag:s31], $0x400  }
0xc4: {  	[sflag:s31] =	ssyncset.done $0x0  }
0xc5: {  	[sflag:s31] =	ssyncadd.s32 $0xFFFFFC00  }
0xc6: {  	_ =	sfence.sel $0x180000  }
0xc7: {  	[bflag:$0x0] =	sbarrier.arrive $0xFFFF  }
0xc8: {  	p0 =	sne.s32 s1, $0x0;
	_ =	strace $0x90000047  }
0xc9: {  	s0 =	sadd.s32 @!p0 $0x100000, s0;
	[bflag:$0x2] =	sbarrier.arrive $0xFFFF  }
0xca: {  	[sflag:s0] =	ssyncadd.tile.s32 @!p0 $0x1;
	_ =	shalt  }
.Lfunc_end2:
_tile_overlayer_lowered:
.L_overlay_start_2:
0xcb: {  	(tag) =	ssettag $0x2  }
0xcc: {  	s0 =	rddreg [dreg:$0x0];
	s2 =	stileid.u32  }
0xcd: {  	s1 =	rddreg [dreg:$0x1];
	p0 =	sne.s32 s2, $0x0  }
0xce: {  	s3 =	rddreg [dreg:$0x2];
	[bflag:$0x3] =	sbarrier.arrive $0xFFFF;
	s2 =	simm.s32 @!p0 $0x1C0A  }
0xcf: {  	[timem:s3], [sflag:s2] =	dma.local @!p0 [hbm:s0], s1  }
0xd0: {  	s0 =	simm.s32 @!p0 $0xA  }
0xd1: {  	_ =	swait.ge @!p0 [sflag:s0], s1  }
0xd2: {  	s1 =	ssub.s32 @!p0 $0x0, s1;
	[sflag:s0] =	ssyncset.done @!p0 $0x0  }
0xd3: {  	[sflag:s0] =	ssyncadd.s32 @!p0 s1  }
0xd4: {  	[bflag:$0x3] =	sbarrier.arrive $0xFFFF  }
0xd5: {  	_ =	shalt  }

</sc_bundles>
